<compile_context>
chip_gen: v7x
topology: tpu7x:2x2x1
jax: 0.10.2.dev20260603
libtpu: 0.0.44.dev20260713+nightly
codegen_flags: <defaults>
</compile_context>

<pallas_src>
import jax
import jax.numpy as jnp
from jax import lax
from jax.experimental import pallas as pl
from jax.experimental.pallas import tpu as pltpu
from jax.experimental.pallas import tpu_sc as plsc

_M = 26
_B = 16384
_NW = 32
_BW = _B // _NW
_L = 16


def _sc_body(x_hbm, w_hbm, out_hbm, w_v, x_v, o_v, x_sem):
    nc = plsc.get_sparse_core_info().num_cores
    wid = lax.axis_index("s") * nc + lax.axis_index("c")
    base = wid * _BW

    x_cp = pltpu.async_copy(x_hbm.at[:, pl.ds(base, _BW)], x_v, x_sem)
    pltpu.sync_copy(w_hbm, w_v.at[pl.ds(0, _M)])

    def to_units(wf):
        ge1 = wf >= jnp.float32(1.0)
        scale = jnp.where(ge1, jnp.float32(128.0), jnp.float32(256.0))
        mult = jnp.where(ge1, jnp.int32(4), jnp.int32(2))
        return (wf * scale + jnp.float32(0.5)).astype(jnp.int32) * mult

    u_lo = to_units(w_v[pl.ds(0, _L)])
    u_hi = to_units(w_v[pl.ds(_L, _L)])
    ws = [u_lo[m] for m in range(_L)] + [u_hi[m] for m in range(_M - _L)]

    thr = ws[0]
    for m in range(1, _M):
        thr = thr + ws[m]

    one = jnp.full((_L,), 1, jnp.int32)
    zero = jnp.full((_L,), 0, jnp.int32)

    x_cp.wait()

    @plsc.parallel_loop(0, _BW, _L)
    def _chunk(off):
        accs = [ws[m] * x_v[m, pl.ds(off, _L)] for m in range(4)]
        for m in range(4, _M):
            accs[m % 4] = accs[m % 4] + ws[m] * x_v[m, pl.ds(off, _L)]
        acc = (accs[0] + accs[1]) + (accs[2] + accs[3])
        o_v[pl.ds(off, _L)] = jnp.where(acc + acc > thr, one, zero)

    pltpu.sync_copy(o_v, out_hbm.at[pl.ds(base, _BW)])


@jax.jit
def _sc_vote(inputs, vote_weights):
    mesh = plsc.VectorSubcoreMesh(core_axis_name="c", subcore_axis_name="s")
    return pl.kernel(
        _sc_body,
        mesh=mesh,
        out_type=jax.ShapeDtypeStruct((_B,), jnp.int32),
        scratch_types=[
            pltpu.VMEM((2 * _L,), jnp.float32),
            pltpu.VMEM((_M, _BW), jnp.int32),
            pltpu.VMEM((_BW,), jnp.int32),
            pltpu.SemaphoreType.DMA,
        ],
    )(inputs, vote_weights)


def kernel(inputs, vote_weights):
    return _sc_vote(inputs, vote_weights)

# --- scband reference (transcript-rebuilt; emitter-appended) ---
"""Pipeline reference for scband-hard-binary-vote-38577396252733 (READ-ONLY COPY).

The authoritative reference and input builder live on the scoring server;
editing this copy changes nothing except your own understanding.
"""

import jax, jax.numpy as jnp
import numpy as np

NUM_CLASSES = 2  # hard BINARY vote -> votes are in {0, 1}


def setup_inputs(seed: int = 0) -> dict:
    key = jax.random.key(seed)
    # inputs: [n_models=26, batch=16384], each entry a binary class vote in {0,1}
    inputs = jax.random.randint(jax.random.fold_in(key, 0), (26, 16384), 0, 2, dtype=jnp.int32)
    vote_weights = jnp.array([1.0, 0.9, 1.1, 0.8, 1.2, 0.7, 1.3, 0.6, 1.4, 0.5, 1.5, 1.0,
                              0.95, 1.05, 0.85, 1.15, 0.75, 1.25, 0.65, 1.35, 0.55, 1.45,
                              1.0, 0.9, 1.1, 1.0], dtype=jnp.float32)
    return {"inputs": inputs, "vote_weights": vote_weights}


def reference(inputs, vote_weights):
    # Faithful translation of HardBinaryVote.call:
    #   inputs = transpose(inputs)                      -> [batch, n_models]
    #   vectorized_map(argmax(bincount(z, weights=vote_weights)))
    # Weighted bincount over binary votes == one_hot(votes, 2) contracted with weights
    # (this is exactly scatter-add semantics of bincount with per-element weights).
    t = jnp.transpose(inputs)  # [B, M]
    onehot = jax.nn.one_hot(t, NUM_CLASSES, dtype=vote_weights.dtype)  # [B, M, 2]
    counts = jnp.einsum('bmc,m->bc', onehot, vote_weights)  # weighted bincount per sample
    return jnp.argmax(counts, axis=-1).astype(jnp.int32)  # [B]

if __name__ == "__main__":
    import jax
    _d = setup_inputs()
    print(jax.jit(kernel)(*tuple(_d.values())))

</pallas_src>

<mosaic_0001>
#map = affine_map<(d0, d1) -> (0, 0)>
#map1 = affine_map<(d0, d1) -> (0)>
module attributes {stable_mosaic.version = 14 : i64} {
  func.func @_sc_body(%arg0: i32, %arg1: i32, %arg2: memref<26x16384xi32, #tpu.memory_space<hbm>>, %arg3: memref<26xf32, #tpu.memory_space<hbm>>, %arg4: memref<16384xi32, #tpu.memory_space<hbm>>, %arg5: memref<32xf32, #tpu.memory_space<vmem>>, %arg6: memref<26x512xi32, #tpu.memory_space<vmem>>, %arg7: memref<512xi32, #tpu.memory_space<vmem>>, %arg8: memref<!tpu.dma_semaphore, #tpu.memory_space<semaphore_mem>>) attributes {dimension_semantics = [#tpu.dimension_semantics<core_parallel>, #tpu.dimension_semantics<subcore_parallel>], iteration_bounds = array<i64: 2, 16>, scalar_prefetch = 0 : i64, scratch_operands = 4 : i64, tpu.core_type = #tpu.core_type<sc_vector_subcore>, window_params = [{transform_indices = #map}, {transform_indices = #map1}, {transform_indices = #map1}]} {
    %mul3A = arith.constant 2 : i32
    %mul3A_0 = arith.muli %arg1, %mul3A : i32
    %add3A = arith.addi %mul3A_0, %arg0 : i32
    %mul3A_1 = arith.constant 512 : i32
    %mul3A_2 = arith.muli %add3A, %mul3A_1 : i32
    %dma_start3A = arith.constant 0 : i32
    %dma_start3A_3 = tpu.memref_slice %arg2[%dma_start3A, %mul3A_2] : memref<26x16384xi32, #tpu.memory_space<hbm>> -> memref<26x512xi32, #tpu.memory_space<hbm>>
    %dma_start3A_4 = arith.constant 0 : i32
    %dma_start3A_5 = tpu.memref_slice %arg2[%dma_start3A_4, %mul3A_2] : memref<26x16384xi32, #tpu.memory_space<hbm>> -> memref<26x512xi32, #tpu.memory_space<hbm>>
    tpu.enqueue_dma source(%dma_start3A_5 : memref<26x512xi32, #tpu.memory_space<hbm>>) target(%arg6 : memref<26x512xi32, #tpu.memory_space<vmem>>) target_semaphore(%arg8 : memref<!tpu.dma_semaphore, #tpu.memory_space<semaphore_mem>>)
    "tpu.region"() ({
      %run_scoped3A = tpu.sem_alloc : memref<!tpu.dma_semaphore, #tpu.memory_space<semaphore_mem>>
      %dma_start3A_128 = arith.constant 0 : i32
      %dma_start3A_129 = tpu.memref_slice %arg5[%dma_start3A_128] : memref<32xf32, #tpu.memory_space<vmem>> -> memref<26xf32, #tpu.memory_space<vmem>>
      %dma_start3A_130 = arith.constant 0 : i32
      %dma_start3A_131 = tpu.memref_slice %arg5[%dma_start3A_130] : memref<32xf32, #tpu.memory_space<vmem>> -> memref<26xf32, #tpu.memory_space<vmem>>
      tpu.enqueue_dma source(%arg3 : memref<26xf32, #tpu.memory_space<hbm>>) target(%dma_start3A_131 : memref<26xf32, #tpu.memory_space<vmem>>) target_semaphore(%run_scoped3A : memref<!tpu.dma_semaphore, #tpu.memory_space<semaphore_mem>>)
      %dma_wait3A_132 = arith.constant 0 : i32
      %dma_wait3A_133 = tpu.memref_slice %arg5[%dma_wait3A_132] : memref<32xf32, #tpu.memory_space<vmem>> -> memref<26xf32, #tpu.memory_space<vmem>>
      %dma_wait3A_134 = arith.constant 0 : i32
      %dma_wait3A_135 = tpu.memref_slice %arg5[%dma_wait3A_134] : memref<32xf32, #tpu.memory_space<vmem>> -> memref<26xf32, #tpu.memory_space<vmem>>
      tpu.wait_dma2 semaphore(%run_scoped3A : memref<!tpu.dma_semaphore, #tpu.memory_space<semaphore_mem>>) src(%arg3 : memref<26xf32, #tpu.memory_space<hbm>>) dst(%dma_wait3A_135 : memref<26xf32, #tpu.memory_space<vmem>>)
      tpu.yield
    }) : () -> ()
    %get3A = arith.constant 0 : index
    %get3A_6 = tpu.vector_load %arg5[%get3A] {strides = array<i32>} : memref<32xf32, #tpu.memory_space<vmem>>, vector<16xf32>,
    %get3A_7 = vector.shape_cast %get3A_6 : vector<16xf32> to vector<16xf32>
    %ge3A = arith.constant 1.000000e+00 : f32
    %ge3A_8 = vector.broadcast %ge3A : f32 to vector<16xf32>
    %ge3A_9 = arith.cmpf oge, %get3A_7, %ge3A_8 : vector<16xf32>
    %jit3A = arith.constant 1.280000e+02 : f32
    %jit3A_10 = arith.constant 2.560000e+02 : f32
    %broadcast_in_dim3A = vector.broadcast %jit3A : f32 to vector<16xf32>
    %broadcast_in_dim3A_11 = vector.broadcast %jit3A_10 : f32 to vector<16xf32>
    %select_n3A = arith.select %ge3A_9, %broadcast_in_dim3A, %broadcast_in_dim3A_11 : vector<16xi1>, vector<16xf32>
    %jit3A_12 = arith.constant 4 : i32
    %jit3A_13 = arith.constant 2 : i32
    %broadcast_in_dim3A_14 = vector.broadcast %jit3A_12 : i32 to vector<16xi32>
    %broadcast_in_dim3A_15 = vector.broadcast %jit3A_13 : i32 to vector<16xi32>
    %select_n3A_16 = arith.select %ge3A_9, %broadcast_in_dim3A_14, %broadcast_in_dim3A_15 : vector<16xi1>, vector<16xi32>
    %mul3A_17 = arith.mulf %get3A_7, %select_n3A : vector<16xf32>
    %add3A_18 = arith.constant 5.000000e-01 : f32
    %add3A_19 = vector.broadcast %add3A_18 : f32 to vector<16xf32>
    %add3A_20 = arith.addf %mul3A_17, %add3A_19 : vector<16xf32>
    %convert_element_type3A = arith.fptosi %add3A_20 : vector<16xf32> to vector<16xi32>
    %mul3A_21 = arith.muli %convert_element_type3A, %select_n3A_16 : vector<16xi32>
    %get3A_22 = arith.constant 16 : index
    %get3A_23 = tpu.vector_load %arg5[%get3A_22] {strides = array<i32>} : memref<32xf32, #tpu.memory_space<vmem>>, vector<16xf32>,
    %get3A_24 = vector.shape_cast %get3A_23 : vector<16xf32> to vector<16xf32>
    %ge3A_25 = arith.constant 1.000000e+00 : f32
    %ge3A_26 = vector.broadcast %ge3A_25 : f32 to vector<16xf32>
    %ge3A_27 = arith.cmpf oge, %get3A_24, %ge3A_26 : vector<16xf32>
    %jit3A_28 = arith.constant 1.280000e+02 : f32
    %jit3A_29 = arith.constant 2.560000e+02 : f32
    %broadcast_in_dim3A_30 = vector.broadcast %jit3A_28 : f32 to vector<16xf32>
    %broadcast_in_dim3A_31 = vector.broadcast %jit3A_29 : f32 to vector<16xf32>
    %select_n3A_32 = arith.select %ge3A_27, %broadcast_in_dim3A_30, %broadcast_in_dim3A_31 : vector<16xi1>, vector<16xf32>
    %jit3A_33 = arith.constant 4 : i32
    %jit3A_34 = arith.constant 2 : i32
    %broadcast_in_dim3A_35 = vector.broadcast %jit3A_33 : i32 to vector<16xi32>
    %broadcast_in_dim3A_36 = vector.broadcast %jit3A_34 : i32 to vector<16xi32>
    %select_n3A_37 = arith.select %ge3A_27, %broadcast_in_dim3A_35, %broadcast_in_dim3A_36 : vector<16xi1>, vector<16xi32>
    %mul3A_38 = arith.mulf %get3A_24, %select_n3A_32 : vector<16xf32>
    %add3A_39 = arith.constant 5.000000e-01 : f32
    %add3A_40 = vector.broadcast %add3A_39 : f32 to vector<16xf32>
    %add3A_41 = arith.addf %mul3A_38, %add3A_40 : vector<16xf32>
    %convert_element_type3A_42 = arith.fptosi %add3A_41 : vector<16xf32> to vector<16xi32>
    %mul3A_43 = arith.muli %convert_element_type3A_42, %select_n3A_37 : vector<16xi32>
    %slice3A = vector.extract_strided_slice %mul3A_21 {offsets = [0], sizes = [1], strides = [1]} : vector<16xi32> to vector<1xi32>
    %squeeze3A = vector.extract %slice3A[0] : i32 from vector<1xi32>
    %slice3A_44 = vector.extract_strided_slice %mul3A_21 {offsets = [1], sizes = [1], strides = [1]} : vector<16xi32> to vector<1xi32>
    %squeeze3A_45 = vector.extract %slice3A_44[0] : i32 from vector<1xi32>
    %slice3A_46 = vector.extract_strided_slice %mul3A_21 {offsets = [2], sizes = [1], strides = [1]} : vector<16xi32> to vector<1xi32>
    %squeeze3A_47 = vector.extract %slice3A_46[0] : i32 from vector<1xi32>
    %slice3A_48 = vector.extract_strided_slice %mul3A_21 {offsets = [3], sizes = [1], strides = [1]} : vector<16xi32> to vector<1xi32>
    %squeeze3A_49 = vector.extract %slice3A_48[0] : i32 from vector<1xi32>
    %slice3A_50 = vector.extract_strided_slice %mul3A_21 {offsets = [4], sizes = [1], strides = [1]} : vector<16xi32> to vector<1xi32>
    %squeeze3A_51 = vector.extract %slice3A_50[0] : i32 from vector<1xi32>
    %slice3A_52 = vector.extract_strided_slice %mul3A_21 {offsets = [5], sizes = [1], strides = [1]} : vector<16xi32> to vector<1xi32>
    %squeeze3A_53 = vector.extract %slice3A_52[0] : i32 from vector<1xi32>
    %slice3A_54 = vector.extract_strided_slice %mul3A_21 {offsets = [6], sizes = [1], strides = [1]} : vector<16xi32> to vector<1xi32>
    %squeeze3A_55 = vector.extract %slice3A_54[0] : i32 from vector<1xi32>
    %slice3A_56 = vector.extract_strided_slice %mul3A_21 {offsets = [7], sizes = [1], strides = [1]} : vector<16xi32> to vector<1xi32>
    %squeeze3A_57 = vector.extract %slice3A_56[0] : i32 from vector<1xi32>
    %slice3A_58 = vector.extract_strided_slice %mul3A_21 {offsets = [8], sizes = [1], strides = [1]} : vector<16xi32> to vector<1xi32>
    %squeeze3A_59 = vector.extract %slice3A_58[0] : i32 from vector<1xi32>
    %slice3A_60 = vector.extract_strided_slice %mul3A_21 {offsets = [9], sizes = [1], strides = [1]} : vector<16xi32> to vector<1xi32>
    %squeeze3A_61 = vector.extract %slice3A_60[0] : i32 from vector<1xi32>
    %slice3A_62 = vector.extract_strided_slice %mul3A_21 {offsets = [10], sizes = [1], strides = [1]} : vector<16xi32> to vector<1xi32>
    %squeeze3A_63 = vector.extract %slice3A_62[0] : i32 from vector<1xi32>
    %slice3A_64 = vector.extract_strided_slice %mul3A_21 {offsets = [11], sizes = [1], strides = [1]} : vector<16xi32> to vector<1xi32>
    %squeeze3A_65 = vector.extract %slice3A_64[0] : i32 from vector<1xi32>
    %slice3A_66 = vector.extract_strided_slice %mul3A_21 {offsets = [12], sizes = [1], strides = [1]} : vector<16xi32> to vector<1xi32>
    %squeeze3A_67 = vector.extract %slice3A_66[0] : i32 from vector<1xi32>
    %slice3A_68 = vector.extract_strided_slice %mul3A_21 {offsets = [13], sizes = [1], strides = [1]} : vector<16xi32> to vector<1xi32>
    %squeeze3A_69 = vector.extract %slice3A_68[0] : i32 from vector<1xi32>
    %slice3A_70 = vector.extract_strided_slice %mul3A_21 {offsets = [14], sizes = [1], strides = [1]} : vector<16xi32> to vector<1xi32>
    %squeeze3A_71 = vector.extract %slice3A_70[0] : i32 from vector<1xi32>
    %slice3A_72 = vector.extract_strided_slice %mul3A_21 {offsets = [15], sizes = [1], strides = [1]} : vector<16xi32> to vector<1xi32>
    %squeeze3A_73 = vector.extract %slice3A_72[0] : i32 from vector<1xi32>
    %slice3A_74 = vector.extract_strided_slice %mul3A_43 {offsets = [0], sizes = [1], strides = [1]} : vector<16xi32> to vector<1xi32>
    %squeeze3A_75 = vector.extract %slice3A_74[0] : i32 from vector<1xi32>
    %slice3A_76 = vector.extract_strided_slice %mul3A_43 {offsets = [1], sizes = [1], strides = [1]} : vector<16xi32> to vector<1xi32>
    %squeeze3A_77 = vector.extract %slice3A_76[0] : i32 from vector<1xi32>
    %slice3A_78 = vector.extract_strided_slice %mul3A_43 {offsets = [2], sizes = [1], strides = [1]} : vector<16xi32> to vector<1xi32>
    %squeeze3A_79 = vector.extract %slice3A_78[0] : i32 from vector<1xi32>
    %slice3A_80 = vector.extract_strided_slice %mul3A_43 {offsets = [3], sizes = [1], strides = [1]} : vector<16xi32> to vector<1xi32>
    %squeeze3A_81 = vector.extract %slice3A_80[0] : i32 from vector<1xi32>
    %slice3A_82 = vector.extract_strided_slice %mul3A_43 {offsets = [4], sizes = [1], strides = [1]} : vector<16xi32> to vector<1xi32>
    %squeeze3A_83 = vector.extract %slice3A_82[0] : i32 from vector<1xi32>
    %slice3A_84 = vector.extract_strided_slice %mul3A_43 {offsets = [5], sizes = [1], strides = [1]} : vector<16xi32> to vector<1xi32>
    %squeeze3A_85 = vector.extract %slice3A_84[0] : i32 from vector<1xi32>
    %slice3A_86 = vector.extract_strided_slice %mul3A_43 {offsets = [6], sizes = [1], strides = [1]} : vector<16xi32> to vector<1xi32>
    %squeeze3A_87 = vector.extract %slice3A_86[0] : i32 from vector<1xi32>
    %slice3A_88 = vector.extract_strided_slice %mul3A_43 {offsets = [7], sizes = [1], strides = [1]} : vector<16xi32> to vector<1xi32>
    %squeeze3A_89 = vector.extract %slice3A_88[0] : i32 from vector<1xi32>
    %slice3A_90 = vector.extract_strided_slice %mul3A_43 {offsets = [8], sizes = [1], strides = [1]} : vector<16xi32> to vector<1xi32>
    %squeeze3A_91 = vector.extract %slice3A_90[0] : i32 from vector<1xi32>
    %slice3A_92 = vector.extract_strided_slice %mul3A_43 {offsets = [9], sizes = [1], strides = [1]} : vector<16xi32> to vector<1xi32>
    %squeeze3A_93 = vector.extract %slice3A_92[0] : i32 from vector<1xi32>
    %add3A_94 = arith.addi %squeeze3A, %squeeze3A_45 : i32
    %add3A_95 = arith.addi %add3A_94, %squeeze3A_47 : i32
    %add3A_96 = arith.addi %add3A_95, %squeeze3A_49 : i32
    %add3A_97 = arith.addi %add3A_96, %squeeze3A_51 : i32
    %add3A_98 = arith.addi %add3A_97, %squeeze3A_53 : i32
    %add3A_99 = arith.addi %add3A_98, %squeeze3A_55 : i32
    %add3A_100 = arith.addi %add3A_99, %squeeze3A_57 : i32
    %add3A_101 = arith.addi %add3A_100, %squeeze3A_59 : i32
    %add3A_102 = arith.addi %add3A_101, %squeeze3A_61 : i32
    %add3A_103 = arith.addi %add3A_102, %squeeze3A_63 : i32
    %add3A_104 = arith.addi %add3A_103, %squeeze3A_65 : i32
    %add3A_105 = arith.addi %add3A_104, %squeeze3A_67 : i32
    %add3A_106 = arith.addi %add3A_105, %squeeze3A_69 : i32
    %add3A_107 = arith.addi %add3A_106, %squeeze3A_71 : i32
    %add3A_108 = arith.addi %add3A_107, %squeeze3A_73 : i32
    %add3A_109 = arith.addi %add3A_108, %squeeze3A_75 : i32
    %add3A_110 = arith.addi %add3A_109, %squeeze3A_77 : i32
    %add3A_111 = arith.addi %add3A_110, %squeeze3A_79 : i32
    %add3A_112 = arith.addi %add3A_111, %squeeze3A_81 : i32
    %add3A_113 = arith.addi %add3A_112, %squeeze3A_83 : i32
    %add3A_114 = arith.addi %add3A_113, %squeeze3A_85 : i32
    %add3A_115 = arith.addi %add3A_114, %squeeze3A_87 : i32
    %add3A_116 = arith.addi %add3A_115, %squeeze3A_89 : i32
    %add3A_117 = arith.addi %add3A_116, %squeeze3A_91 : i32
    %add3A_118 = arith.addi %add3A_117, %squeeze3A_93 : i32
    %broadcast_in_dim3A_119 = arith.constant 1 : i32
    %broadcast_in_dim3A_120 = vector.broadcast %broadcast_in_dim3A_119 : i32 to vector<16xi32>
    %broadcast_in_dim3A_121 = arith.constant 0 : i32
    %broadcast_in_dim3A_122 = vector.broadcast %broadcast_in_dim3A_121 : i32 to vector<16xi32>
    %dma_wait3A = arith.constant 0 : i32
    %dma_wait3A_123 = tpu.memref_slice %arg2[%dma_wait3A, %mul3A_2] : memref<26x16384xi32, #tpu.memory_space<hbm>> -> memref<26x512xi32, #tpu.memory_space<hbm>>
    %dma_wait3A_124 = arith.constant 0 : i32
    %dma_wait3A_125 = tpu.memref_slice %arg2[%dma_wait3A_124, %mul3A_2] : memref<26x16384xi32, #tpu.memory_space<hbm>> -> memref<26x512xi32, #tpu.memory_space<hbm>>
    tpu.wait_dma2 semaphore(%arg8 : memref<!tpu.dma_semaphore, #tpu.memory_space<semaphore_mem>>) src(%dma_wait3A_125 : memref<26x512xi32, #tpu.memory_space<hbm>>) dst(%arg6 : memref<26x512xi32, #tpu.memory_space<vmem>>)
    %parallel_loop3A = arith.constant 0 : i32
    %parallel_loop3A_126 = arith.constant 512 : i32
    %parallel_loop3A_127 = arith.constant 16 : i32
    scf.for %parallel_loop3A_128 = %parallel_loop3A to %parallel_loop3A_126 step %parallel_loop3A_127  : i32 {
      %parallel_loop3A_129 = arith.constant 0 : i32
      %parallel_loop3A_130 = arith.index_cast %parallel_loop3A_129 : i32 to index
      %parallel_loop3A_131 = arith.index_cast %parallel_loop3A_128 : i32 to index
      %parallel_loop3A_132 = tpu.vector_load %arg6[%parallel_loop3A_130, %parallel_loop3A_131] {strides = array<i32>} : memref<26x512xi32, #tpu.memory_space<vmem>>, vector<1x16xi32>,
      %parallel_loop3A_133 = vector.shape_cast %parallel_loop3A_132 : vector<1x16xi32> to vector<16xi32>
      %parallel_loop3A_134 = vector.broadcast %squeeze3A : i32 to vector<16xi32>
      %parallel_loop3A_135 = arith.muli %parallel_loop3A_134, %parallel_loop3A_133 : vector<16xi32>
      %parallel_loop3A_136 = arith.constant 1 : i32
      %parallel_loop3A_137 = arith.index_cast %parallel_loop3A_136 : i32 to index
      %parallel_loop3A_138 = arith.index_cast %parallel_loop3A_128 : i32 to index
      %parallel_loop3A_139 = tpu.vector_load %arg6[%parallel_loop3A_137, %parallel_loop3A_138] {strides = array<i32>} : memref<26x512xi32, #tpu.memory_space<vmem>>, vector<1x16xi32>,
      %parallel_loop3A_140 = vector.shape_cast %parallel_loop3A_139 : vector<1x16xi32> to vector<16xi32>
      %parallel_loop3A_141 = vector.broadcast %squeeze3A_45 : i32 to vector<16xi32>
      %parallel_loop3A_142 = arith.muli %parallel_loop3A_141, %parallel_loop3A_140 : vector<16xi32>
      %parallel_loop3A_143 = arith.constant 2 : i32
      %parallel_loop3A_144 = arith.index_cast %parallel_loop3A_143 : i32 to index
      %parallel_loop3A_145 = arith.index_cast %parallel_loop3A_128 : i32 to index
      %parallel_loop3A_146 = tpu.vector_load %arg6[%parallel_loop3A_144, %parallel_loop3A_145] {strides = array<i32>} : memref<26x512xi32, #tpu.memory_space<vmem>>, vector<1x16xi32>,
      %parallel_loop3A_147 = vector.shape_cast %parallel_loop3A_146 : vector<1x16xi32> to vector<16xi32>
      %parallel_loop3A_148 = vector.broadcast %squeeze3A_47 : i32 to vector<16xi32>
      %parallel_loop3A_149 = arith.muli %parallel_loop3A_148, %parallel_loop3A_147 : vector<16xi32>
      %parallel_loop3A_150 = arith.constant 3 : i32
      %parallel_loop3A_151 = arith.index_cast %parallel_loop3A_150 : i32 to index
      %parallel_loop3A_152 = arith.index_cast %parallel_loop3A_128 : i32 to index
      %parallel_loop3A_153 = tpu.vector_load %arg6[%parallel_loop3A_151, %parallel_loop3A_152] {strides = array<i32>} : memref<26x512xi32, #tpu.memory_space<vmem>>, vector<1x16xi32>,
      %parallel_loop3A_154 = vector.shape_cast %parallel_loop3A_153 : vector<1x16xi32> to vector<16xi32>
      %parallel_loop3A_155 = vector.broadcast %squeeze3A_49 : i32 to vector<16xi32>
      %parallel_loop3A_156 = arith.muli %parallel_loop3A_155, %parallel_loop3A_154 : vector<16xi32>
      %parallel_loop3A_157 = arith.constant 4 : i32
      %parallel_loop3A_158 = arith.index_cast %parallel_loop3A_157 : i32 to index
      %parallel_loop3A_159 = arith.index_cast %parallel_loop3A_128 : i32 to index
      %parallel_loop3A_160 = tpu.vector_load %arg6[%parallel_loop3A_158, %parallel_loop3A_159] {strides = array<i32>} : memref<26x512xi32, #tpu.memory_space<vmem>>, vector<1x16xi32>,
      %parallel_loop3A_161 = vector.shape_cast %parallel_loop3A_160 : vector<1x16xi32> to vector<16xi32>
      %parallel_loop3A_162 = vector.broadcast %squeeze3A_51 : i32 to vector<16xi32>
      %parallel_loop3A_163 = arith.muli %parallel_loop3A_162, %parallel_loop3A_161 : vector<16xi32>
      %parallel_loop3A_164 = arith.addi %parallel_loop3A_135, %parallel_loop3A_163 : vector<16xi32>
      %parallel_loop3A_165 = arith.constant 5 : i32
      %parallel_loop3A_166 = arith.index_cast %parallel_loop3A_165 : i32 to index
      %parallel_loop3A_167 = arith.index_cast %parallel_loop3A_128 : i32 to index
      %parallel_loop3A_168 = tpu.vector_load %arg6[%parallel_loop3A_166, %parallel_loop3A_167] {strides = array<i32>} : memref<26x512xi32, #tpu.memory_space<vmem>>, vector<1x16xi32>,
      %parallel_loop3A_169 = vector.shape_cast %parallel_loop3A_168 : vector<1x16xi32> to vector<16xi32>
      %parallel_loop3A_170 = vector.broadcast %squeeze3A_53 : i32 to vector<16xi32>
      %parallel_loop3A_171 = arith.muli %parallel_loop3A_170, %parallel_loop3A_169 : vector<16xi32>
      %parallel_loop3A_172 = arith.addi %parallel_loop3A_142, %parallel_loop3A_171 : vector<16xi32>
      %parallel_loop3A_173 = arith.constant 6 : i32
      %parallel_loop3A_174 = arith.index_cast %parallel_loop3A_173 : i32 to index
      %parallel_loop3A_175 = arith.index_cast %parallel_loop3A_128 : i32 to index
      %parallel_loop3A_176 = tpu.vector_load %arg6[%parallel_loop3A_174, %parallel_loop3A_175] {strides = array<i32>} : memref<26x512xi32, #tpu.memory_space<vmem>>, vector<1x16xi32>,
      %parallel_loop3A_177 = vector.shape_cast %parallel_loop3A_176 : vector<1x16xi32> to vector<16xi32>
      %parallel_loop3A_178 = vector.broadcast %squeeze3A_55 : i32 to vector<16xi32>
      %parallel_loop3A_179 = arith.muli %parallel_loop3A_178, %parallel_loop3A_177 : vector<16xi32>
      %parallel_loop3A_180 = arith.addi %parallel_loop3A_149, %parallel_loop3A_179 : vector<16xi32>
      %parallel_loop3A_181 = arith.constant 7 : i32
      %parallel_loop3A_182 = arith.index_cast %parallel_loop3A_181 : i32 to index
      %parallel_loop3A_183 = arith.index_cast %parallel_loop3A_128 : i32 to index
      %parallel_loop3A_184 = tpu.vector_load %arg6[%parallel_loop3A_182, %parallel_loop3A_183] {strides = array<i32>} : memref<26x512xi32, #tpu.memory_space<vmem>>, vector<1x16xi32>,
      %parallel_loop3A_185 = vector.shape_cast %parallel_loop3A_184 : vector<1x16xi32> to vector<16xi32>
      %parallel_loop3A_186 = vector.broadcast %squeeze3A_57 : i32 to vector<16xi32>
      %parallel_loop3A_187 = arith.muli %parallel_loop3A_186, %parallel_loop3A_185 : vector<16xi32>
      %parallel_loop3A_188 = arith.addi %parallel_loop3A_156, %parallel_loop3A_187 : vector<16xi32>
      %parallel_loop3A_189 = arith.constant 8 : i32
      %parallel_loop3A_190 = arith.index_cast %parallel_loop3A_189 : i32 to index
      %parallel_loop3A_191 = arith.index_cast %parallel_loop3A_128 : i32 to index
      %parallel_loop3A_192 = tpu.vector_load %arg6[%parallel_loop3A_190, %parallel_loop3A_191] {strides = array<i32>} : memref<26x512xi32, #tpu.memory_space<vmem>>, vector<1x16xi32>,
      %parallel_loop3A_193 = vector.shape_cast %parallel_loop3A_192 : vector<1x16xi32> to vector<16xi32>
      %parallel_loop3A_194 = vector.broadcast %squeeze3A_59 : i32 to vector<16xi32>
      %parallel_loop3A_195 = arith.muli %parallel_loop3A_194, %parallel_loop3A_193 : vector<16xi32>
      %parallel_loop3A_196 = arith.addi %parallel_loop3A_164, %parallel_loop3A_195 : vector<16xi32>
      %parallel_loop3A_197 = arith.constant 9 : i32
      %parallel_loop3A_198 = arith.index_cast %parallel_loop3A_197 : i32 to index
      %parallel_loop3A_199 = arith.index_cast %parallel_loop3A_128 : i32 to index
      %parallel_loop3A_200 = tpu.vector_load %arg6[%parallel_loop3A_198, %parallel_loop3A_199] {strides = array<i32>} : memref<26x512xi32, #tpu.memory_space<vmem>>, vector<1x16xi32>,
      %parallel_loop3A_201 = vector.shape_cast %parallel_loop3A_200 : vector<1x16xi32> to vector<16xi32>
      %parallel_loop3A_202 = vector.broadcast %squeeze3A_61 : i32 to vector<16xi32>
      %parallel_loop3A_203 = arith.muli %parallel_loop3A_202, %parallel_loop3A_201 : vector<16xi32>
      %parallel_loop3A_204 = arith.addi %parallel_loop3A_172, %parallel_loop3A_203 : vector<16xi32>
      %parallel_loop3A_205 = arith.constant 10 : i32
      %parallel_loop3A_206 = arith.index_cast %parallel_loop3A_205 : i32 to index
      %parallel_loop3A_207 = arith.index_cast %parallel_loop3A_128 : i32 to index
      %parallel_loop3A_208 = tpu.vector_load %arg6[%parallel_loop3A_206, %parallel_loop3A_207] {strides = array<i32>} : memref<26x512xi32, #tpu.memory_space<vmem>>, vector<1x16xi32>,
      %parallel_loop3A_209 = vector.shape_cast %parallel_loop3A_208 : vector<1x16xi32> to vector<16xi32>
      %parallel_loop3A_210 = vector.broadcast %squeeze3A_63 : i32 to vector<16xi32>
      %parallel_loop3A_211 = arith.muli %parallel_loop3A_210, %parallel_loop3A_209 : vector<16xi32>
      %parallel_loop3A_212 = arith.addi %parallel_loop3A_180, %parallel_loop3A_211 : vector<16xi32>
      %parallel_loop3A_213 = arith.constant 11 : i32
      %parallel_loop3A_214 = arith.index_cast %parallel_loop3A_213 : i32 to index
      %parallel_loop3A_215 = arith.index_cast %parallel_loop3A_128 : i32 to index
      %parallel_loop3A_216 = tpu.vector_load %arg6[%parallel_loop3A_214, %parallel_loop3A_215] {strides = array<i32>} : memref<26x512xi32, #tpu.memory_space<vmem>>, vector<1x16xi32>,
      %parallel_loop3A_217 = vector.shape_cast %parallel_loop3A_216 : vector<1x16xi32> to vector<16xi32>
      %parallel_loop3A_218 = vector.broadcast %squeeze3A_65 : i32 to vector<16xi32>
      %parallel_loop3A_219 = arith.muli %parallel_loop3A_218, %parallel_loop3A_217 : vector<16xi32>
      %parallel_loop3A_220 = arith.addi %parallel_loop3A_188, %parallel_loop3A_219 : vector<16xi32>
      %parallel_loop3A_221 = arith.constant 12 : i32
      %parallel_loop3A_222 = arith.index_cast %parallel_loop3A_221 : i32 to index
      %parallel_loop3A_223 = arith.index_cast %parallel_loop3A_128 : i32 to index
      %parallel_loop3A_224 = tpu.vector_load %arg6[%parallel_loop3A_222, %parallel_loop3A_223] {strides = array<i32>} : memref<26x512xi32, #tpu.memory_space<vmem>>, vector<1x16xi32>,
      %parallel_loop3A_225 = vector.shape_cast %parallel_loop3A_224 : vector<1x16xi32> to vector<16xi32>
      %parallel_loop3A_226 = vector.broadcast %squeeze3A_67 : i32 to vector<16xi32>
      %parallel_loop3A_227 = arith.muli %parallel_loop3A_226, %parallel_loop3A_225 : vector<16xi32>
      %parallel_loop3A_228 = arith.addi %parallel_loop3A_196, %parallel_loop3A_227 : vector<16xi32>
      %parallel_loop3A_229 = arith.constant 13 : i32
      %parallel_loop3A_230 = arith.index_cast %parallel_loop3A_229 : i32 to index
      %parallel_loop3A_231 = arith.index_cast %parallel_loop3A_128 : i32 to index
      %parallel_loop3A_232 = tpu.vector_load %arg6[%parallel_loop3A_230, %parallel_loop3A_231] {strides = array<i32>} : memref<26x512xi32, #tpu.memory_space<vmem>>, vector<1x16xi32>,
      %parallel_loop3A_233 = vector.shape_cast %parallel_loop3A_232 : vector<1x16xi32> to vector<16xi32>
      %parallel_loop3A_234 = vector.broadcast %squeeze3A_69 : i32 to vector<16xi32>
      %parallel_loop3A_235 = arith.muli %parallel_loop3A_234, %parallel_loop3A_233 : vector<16xi32>
      %parallel_loop3A_236 = arith.addi %parallel_loop3A_204, %parallel_loop3A_235 : vector<16xi32>
      %parallel_loop3A_237 = arith.constant 14 : i32
      %parallel_loop3A_238 = arith.index_cast %parallel_loop3A_237 : i32 to index
      %parallel_loop3A_239 = arith.index_cast %parallel_loop3A_128 : i32 to index
      %parallel_loop3A_240 = tpu.vector_load %arg6[%parallel_loop3A_238, %parallel_loop3A_239] {strides = array<i32>} : memref<26x512xi32, #tpu.memory_space<vmem>>, vector<1x16xi32>,
      %parallel_loop3A_241 = vector.shape_cast %parallel_loop3A_240 : vector<1x16xi32> to vector<16xi32>
      %parallel_loop3A_242 = vector.broadcast %squeeze3A_71 : i32 to vector<16xi32>
      %parallel_loop3A_243 = arith.muli %parallel_loop3A_242, %parallel_loop3A_241 : vector<16xi32>
      %parallel_loop3A_244 = arith.addi %parallel_loop3A_212, %parallel_loop3A_243 : vector<16xi32>
      %parallel_loop3A_245 = arith.constant 15 : i32
      %parallel_loop3A_246 = arith.index_cast %parallel_loop3A_245 : i32 to index
      %parallel_loop3A_247 = arith.index_cast %parallel_loop3A_128 : i32 to index
      %parallel_loop3A_248 = tpu.vector_load %arg6[%parallel_loop3A_246, %parallel_loop3A_247] {strides = array<i32>} : memref<26x512xi32, #tpu.memory_space<vmem>>, vector<1x16xi32>,
      %parallel_loop3A_249 = vector.shape_cast %parallel_loop3A_248 : vector<1x16xi32> to vector<16xi32>
      %parallel_loop3A_250 = vector.broadcast %squeeze3A_73 : i32 to vector<16xi32>
      %parallel_loop3A_251 = arith.muli %parallel_loop3A_250, %parallel_loop3A_249 : vector<16xi32>
      %parallel_loop3A_252 = arith.addi %parallel_loop3A_220, %parallel_loop3A_251 : vector<16xi32>
      %parallel_loop3A_253 = arith.constant 16 : i32
      %parallel_loop3A_254 = arith.index_cast %parallel_loop3A_253 : i32 to index
      %parallel_loop3A_255 = arith.index_cast %parallel_loop3A_128 : i32 to index
      %parallel_loop3A_256 = tpu.vector_load %arg6[%parallel_loop3A_254, %parallel_loop3A_255] {strides = array<i32>} : memref<26x512xi32, #tpu.memory_space<vmem>>, vector<1x16xi32>,
      %parallel_loop3A_257 = vector.shape_cast %parallel_loop3A_256 : vector<1x16xi32> to vector<16xi32>
      %parallel_loop3A_258 = vector.broadcast %squeeze3A_75 : i32 to vector<16xi32>
      %parallel_loop3A_259 = arith.muli %parallel_loop3A_258, %parallel_loop3A_257 : vector<16xi32>
      %parallel_loop3A_260 = arith.addi %parallel_loop3A_228, %parallel_loop3A_259 : vector<16xi32>
      %parallel_loop3A_261 = arith.constant 17 : i32
      %parallel_loop3A_262 = arith.index_cast %parallel_loop3A_261 : i32 to index
      %parallel_loop3A_263 = arith.index_cast %parallel_loop3A_128 : i32 to index
      %parallel_loop3A_264 = tpu.vector_load %arg6[%parallel_loop3A_262, %parallel_loop3A_263] {strides = array<i32>} : memref<26x512xi32, #tpu.memory_space<vmem>>, vector<1x16xi32>,
      %parallel_loop3A_265 = vector.shape_cast %parallel_loop3A_264 : vector<1x16xi32> to vector<16xi32>
      %parallel_loop3A_266 = vector.broadcast %squeeze3A_77 : i32 to vector<16xi32>
      %parallel_loop3A_267 = arith.muli %parallel_loop3A_266, %parallel_loop3A_265 : vector<16xi32>
      %parallel_loop3A_268 = arith.addi %parallel_loop3A_236, %parallel_loop3A_267 : vector<16xi32>
      %parallel_loop3A_269 = arith.constant 18 : i32
      %parallel_loop3A_270 = arith.index_cast %parallel_loop3A_269 : i32 to index
      %parallel_loop3A_271 = arith.index_cast %parallel_loop3A_128 : i32 to index
      %parallel_loop3A_272 = tpu.vector_load %arg6[%parallel_loop3A_270, %parallel_loop3A_271] {strides = array<i32>} : memref<26x512xi32, #tpu.memory_space<vmem>>, vector<1x16xi32>,
      %parallel_loop3A_273 = vector.shape_cast %parallel_loop3A_272 : vector<1x16xi32> to vector<16xi32>
      %parallel_loop3A_274 = vector.broadcast %squeeze3A_79 : i32 to vector<16xi32>
      %parallel_loop3A_275 = arith.muli %parallel_loop3A_274, %parallel_loop3A_273 : vector<16xi32>
      %parallel_loop3A_276 = arith.addi %parallel_loop3A_244, %parallel_loop3A_275 : vector<16xi32>
      %parallel_loop3A_277 = arith.constant 19 : i32
      %parallel_loop3A_278 = arith.index_cast %parallel_loop3A_277 : i32 to index
      %parallel_loop3A_279 = arith.index_cast %parallel_loop3A_128 : i32 to index
      %parallel_loop3A_280 = tpu.vector_load %arg6[%parallel_loop3A_278, %parallel_loop3A_279] {strides = array<i32>} : memref<26x512xi32, #tpu.memory_space<vmem>>, vector<1x16xi32>,
      %parallel_loop3A_281 = vector.shape_cast %parallel_loop3A_280 : vector<1x16xi32> to vector<16xi32>
      %parallel_loop3A_282 = vector.broadcast %squeeze3A_81 : i32 to vector<16xi32>
      %parallel_loop3A_283 = arith.muli %parallel_loop3A_282, %parallel_loop3A_281 : vector<16xi32>
      %parallel_loop3A_284 = arith.addi %parallel_loop3A_252, %parallel_loop3A_283 : vector<16xi32>
      %parallel_loop3A_285 = arith.constant 20 : i32
      %parallel_loop3A_286 = arith.index_cast %parallel_loop3A_285 : i32 to index
      %parallel_loop3A_287 = arith.index_cast %parallel_loop3A_128 : i32 to index
      %parallel_loop3A_288 = tpu.vector_load %arg6[%parallel_loop3A_286, %parallel_loop3A_287] {strides = array<i32>} : memref<26x512xi32, #tpu.memory_space<vmem>>, vector<1x16xi32>,
      %parallel_loop3A_289 = vector.shape_cast %parallel_loop3A_288 : vector<1x16xi32> to vector<16xi32>
      %parallel_loop3A_290 = vector.broadcast %squeeze3A_83 : i32 to vector<16xi32>
      %parallel_loop3A_291 = arith.muli %parallel_loop3A_290, %parallel_loop3A_289 : vector<16xi32>
      %parallel_loop3A_292 = arith.addi %parallel_loop3A_260, %parallel_loop3A_291 : vector<16xi32>
      %parallel_loop3A_293 = arith.constant 21 : i32
      %parallel_loop3A_294 = arith.index_cast %parallel_loop3A_293 : i32 to index
      %parallel_loop3A_295 = arith.index_cast %parallel_loop3A_128 : i32 to index
      %parallel_loop3A_296 = tpu.vector_load %arg6[%parallel_loop3A_294, %parallel_loop3A_295] {strides = array<i32>} : memref<26x512xi32, #tpu.memory_space<vmem>>, vector<1x16xi32>,
      %parallel_loop3A_297 = vector.shape_cast %parallel_loop3A_296 : vector<1x16xi32> to vector<16xi32>
      %parallel_loop3A_298 = vector.broadcast %squeeze3A_85 : i32 to vector<16xi32>
      %parallel_loop3A_299 = arith.muli %parallel_loop3A_298, %parallel_loop3A_297 : vector<16xi32>
      %parallel_loop3A_300 = arith.addi %parallel_loop3A_268, %parallel_loop3A_299 : vector<16xi32>
      %parallel_loop3A_301 = arith.constant 22 : i32
      %parallel_loop3A_302 = arith.index_cast %parallel_loop3A_301 : i32 to index
      %parallel_loop3A_303 = arith.index_cast %parallel_loop3A_128 : i32 to index
      %parallel_loop3A_304 = tpu.vector_load %arg6[%parallel_loop3A_302, %parallel_loop3A_303] {strides = array<i32>} : memref<26x512xi32, #tpu.memory_space<vmem>>, vector<1x16xi32>,
      %parallel_loop3A_305 = vector.shape_cast %parallel_loop3A_304 : vector<1x16xi32> to vector<16xi32>
      %parallel_loop3A_306 = vector.broadcast %squeeze3A_87 : i32 to vector<16xi32>
      %parallel_loop3A_307 = arith.muli %parallel_loop3A_306, %parallel_loop3A_305 : vector<16xi32>
      %parallel_loop3A_308 = arith.addi %parallel_loop3A_276, %parallel_loop3A_307 : vector<16xi32>
      %parallel_loop3A_309 = arith.constant 23 : i32
      %parallel_loop3A_310 = arith.index_cast %parallel_loop3A_309 : i32 to index
      %parallel_loop3A_311 = arith.index_cast %parallel_loop3A_128 : i32 to index
      %parallel_loop3A_312 = tpu.vector_load %arg6[%parallel_loop3A_310, %parallel_loop3A_311] {strides = array<i32>} : memref<26x512xi32, #tpu.memory_space<vmem>>, vector<1x16xi32>,
      %parallel_loop3A_313 = vector.shape_cast %parallel_loop3A_312 : vector<1x16xi32> to vector<16xi32>
      %parallel_loop3A_314 = vector.broadcast %squeeze3A_89 : i32 to vector<16xi32>
      %parallel_loop3A_315 = arith.muli %parallel_loop3A_314, %parallel_loop3A_313 : vector<16xi32>
      %parallel_loop3A_316 = arith.addi %parallel_loop3A_284, %parallel_loop3A_315 : vector<16xi32>
      %parallel_loop3A_317 = arith.constant 24 : i32
      %parallel_loop3A_318 = arith.index_cast %parallel_loop3A_317 : i32 to index
      %parallel_loop3A_319 = arith.index_cast %parallel_loop3A_128 : i32 to index
      %parallel_loop3A_320 = tpu.vector_load %arg6[%parallel_loop3A_318, %parallel_loop3A_319] {strides = array<i32>} : memref<26x512xi32, #tpu.memory_space<vmem>>, vector<1x16xi32>,
      %parallel_loop3A_321 = vector.shape_cast %parallel_loop3A_320 : vector<1x16xi32> to vector<16xi32>
      %parallel_loop3A_322 = vector.broadcast %squeeze3A_91 : i32 to vector<16xi32>
      %parallel_loop3A_323 = arith.muli %parallel_loop3A_322, %parallel_loop3A_321 : vector<16xi32>
      %parallel_loop3A_324 = arith.addi %parallel_loop3A_292, %parallel_loop3A_323 : vector<16xi32>
      %parallel_loop3A_325 = arith.constant 25 : i32
      %parallel_loop3A_326 = arith.index_cast %parallel_loop3A_325 : i32 to index
      %parallel_loop3A_327 = arith.index_cast %parallel_loop3A_128 : i32 to index
      %parallel_loop3A_328 = tpu.vector_load %arg6[%parallel_loop3A_326, %parallel_loop3A_327] {strides = array<i32>} : memref<26x512xi32, #tpu.memory_space<vmem>>, vector<1x16xi32>,
      %parallel_loop3A_329 = vector.shape_cast %parallel_loop3A_328 : vector<1x16xi32> to vector<16xi32>
      %parallel_loop3A_330 = vector.broadcast %squeeze3A_93 : i32 to vector<16xi32>
      %parallel_loop3A_331 = arith.muli %parallel_loop3A_330, %parallel_loop3A_329 : vector<16xi32>
      %parallel_loop3A_332 = arith.addi %parallel_loop3A_300, %parallel_loop3A_331 : vector<16xi32>
      %parallel_loop3A_333 = arith.addi %parallel_loop3A_324, %parallel_loop3A_332 : vector<16xi32>
      %parallel_loop3A_334 = arith.addi %parallel_loop3A_308, %parallel_loop3A_316 : vector<16xi32>
      %parallel_loop3A_335 = arith.addi %parallel_loop3A_333, %parallel_loop3A_334 : vector<16xi32>
      %parallel_loop3A_336 = arith.addi %parallel_loop3A_335, %parallel_loop3A_335 : vector<16xi32>
      %parallel_loop3A_337 = vector.broadcast %add3A_118 : i32 to vector<16xi32>
      %parallel_loop3A_338 = arith.cmpi sgt, %parallel_loop3A_336, %parallel_loop3A_337 : vector<16xi32>
      %parallel_loop3A_339 = arith.select %parallel_loop3A_338, %broadcast_in_dim3A_120, %broadcast_in_dim3A_122 : vector<16xi1>, vector<16xi32>
      %parallel_loop3A_340 = arith.index_cast %parallel_loop3A_128 : i32 to index
      %parallel_loop3A_341 = tpu.vector_load %arg7[%parallel_loop3A_340] {strides = array<i32>} : memref<512xi32, #tpu.memory_space<vmem>>, vector<16xi32>,
      %parallel_loop3A_342 = vector.shape_cast %parallel_loop3A_341 : vector<16xi32> to vector<16xi32>
      %parallel_loop3A_343 = vector.shape_cast %parallel_loop3A_339 : vector<16xi32> to vector<16xi32>
      tpu.vector_store %arg7[%parallel_loop3A_340], %parallel_loop3A_343 {strides = array<i32>} : memref<512xi32, #tpu.memory_space<vmem>>, vector<16xi32>,
    } {sc.loop_unroll_factor = 1 : i64, sc.parallel_access}
    "tpu.region"() ({
      %run_scoped3A = tpu.sem_alloc : memref<!tpu.dma_semaphore, #tpu.memory_space<semaphore_mem>>
      %dma_start3A_128 = tpu.memref_slice %arg4[%mul3A_2] : memref<16384xi32, #tpu.memory_space<hbm>> -> memref<512xi32, #tpu.memory_space<hbm>>
      %dma_start3A_129 = tpu.memref_slice %arg4[%mul3A_2] : memref<16384xi32, #tpu.memory_space<hbm>> -> memref<512xi32, #tpu.memory_space<hbm>>
      tpu.enqueue_dma source(%arg7 : memref<512xi32, #tpu.memory_space<vmem>>) target(%dma_start3A_129 : memref<512xi32, #tpu.memory_space<hbm>>) target_semaphore(%run_scoped3A : memref<!tpu.dma_semaphore, #tpu.memory_space<semaphore_mem>>)
      %dma_wait3A_130 = tpu.memref_slice %arg4[%mul3A_2] : memref<16384xi32, #tpu.memory_space<hbm>> -> memref<512xi32, #tpu.memory_space<hbm>>
      %dma_wait3A_131 = tpu.memref_slice %arg4[%mul3A_2] : memref<16384xi32, #tpu.memory_space<hbm>> -> memref<512xi32, #tpu.memory_space<hbm>>
      tpu.wait_dma2 semaphore(%run_scoped3A : memref<!tpu.dma_semaphore, #tpu.memory_space<semaphore_mem>>) src(%arg7 : memref<512xi32, #tpu.memory_space<vmem>>) dst(%dma_wait3A_131 : memref<512xi32, #tpu.memory_space<hbm>>)
      tpu.yield
    }) : () -> ()
    return
  }
}

</mosaic_0001>

<sc_bundles>
// kernel: _sc_vote.3.cloned.1.call-start
scs
__scs_entry_jumppad:
0x0: {  	(pc) =	sbr.rel $0x88, $3  }
0x1: {  	(tag) =	ssettag $0x0;
	lr =	simm.s32 $0x1  }
0x2: {  	[smem:$0x3F9F] =	sst lr;
	_ =	strace $0xD0000000  }
0x3: {  	_ = 	snop  }
0x4: {  	_ = 	snop  }
0x5: {  	_ = 	snop  }
0x6: {  	_ = 	snop  }
0x7: {  	_ = 	snop  }
__scs_overlays_trampoline_lowered:
0x8: {  	[smem:$0x3FAE] =	sst s0  }
0x9: {  	[smem:$0x3FAF] =	sst s1  }
0xa: {  	[smem:$0x3FB0] =	sst s2  }
0xb: {  	[smem:$0x3FB1] =	sst s3  }
0xc: {  	[smem:$0x3FB2] =	sst s4  }
0xd: {  	[smem:$0x3FB3] =	sst s5  }
0xe: {  	[smem:$0x3FB4] =	sst s6  }
0xf: {  	[smem:$0x3FB5] =	sst s7  }
0x10: {  	[smem:$0x3FB6] =	sst s8  }
0x11: {  	[smem:$0x3FB7] =	sst s9;
	s0 =	simm.s32 @!p0 $0x0  }
0x12: {  	s1 =	sld [smem:$0x3F9D];
	s0 =	simm.s32 @p0 $0x1  }
0x13: {  	[smem:$0x3FB8] =	sst s0;
	s0 =	simm.s32 @!p1 $0x0  }
0x14: {  	s2 =	sld [smem:$0x3F9C];
	s0 =	simm.s32 @p1 $0x1  }
0x15: {  	[smem:$0x3FB9] =	sst s0;
	s0 =	simm.s32 @!p2 $0x0  }
0x16: {  	s3 =	sld [smem:$0x3FDB];
	s0 =	simm.s32 @p2 $0x1  }
0x17: {  	s4 =	simm.s32 $0x1BF5;
	[smem:$0x3FBB] =	sst s0  }
0x18: {  	s0 =	sld [smem:$0x3F9E];
	_ =	swait.ge [sflag:s4], $0x0  }
0x19: {  	s7 =	sld [smem:$0x3F9F]  }
0x1a: {  	s8 =	sadd.s32 $0xFFFFE003, lr  }
0x1b: {  	s9 =	sadd.s32 $0xFFFFFEF7, lr;
	s5 =	simm.s32 $0xFFFFFFFF;
	p2 =	slt.u32 s8, $0xFFFFF086  }
0x1c: {  	p1 =	slt.u32 s9, $0xF7A;
	s5 =	simm.s32 @!p2 $0x0  }
0x1d: {  	s5 =	simm.s32 @p1 $0x1;
	p0 =	seq.s32 s7, s2  }
0x1e: {  	s7 =	smul.u32 @!p0 $0xF7A, s2;
	p2 =	seq.s32 @!p0 s5, $0x0  }
0x1f: {  	s9 =	smul.u32 $0xF7A, s1;
	s8 =	simm.s32 @!p0 $0x1BF5;
	p2 =	por !p2, p0  }
0x20: {  	[sflag:s8] =	ssyncset.s32 @!p0 $0xFFFFF086;
	s6 =	sadd.s32 @!p0 s3, s7;
	s7 =	simm.s32 @!p0 $0x108  }
0x21: {  	s3 =	sadd.s32 s3, s9;
	s6 =	sadd.s32 @!p0 $0x88, s6;
	s7 =	simm.s32 @p2 $0x1082  }
0x22: {  	[simem:s7], [sflag:s8] =	dma.local @!p0 [hbm:s6], $0xF7A  }
0x23: {  	s9 =	sor.u32 $0xD0000000, s2;
	s6 =	simm.s32 $0x108;
	_ =	swait.ge @!p0 [sflag:s8], $0x0  }
0x24: {  	s3 =	sadd.s32 $0x88, s3;
	s6 =	simm.s32 @!p1 $0x1082;
	[sflag:s4] =	ssyncset.s32 $0xFFFFF086  }
0x25: {  	[simem:s6], [sflag:s4] =	dma.local [hbm:s3], $0xF7A  }
0x26: {  	[smem:$0x3F9F] =	sst s1;
	(tag) =	ssettag s2;
	_ =	strace s9  }
0x27: {  	s1 =	sld [smem:$0x3FAF]  }
0x28: {  	s2 =	sld [smem:$0x3FB0]  }
0x29: {  	s4 =	sld [smem:$0x3FB2]  }
0x2a: {  	p0 =	seq.s32 s5, $0x0;
	s5 =	sld [smem:$0x3FB3]  }
0x2b: {  	s6 =	sld [smem:$0x3FB4]  }
0x2c: {  	s7 =	sld [smem:$0x3FB5]  }
0x2d: {  	s3 =	simm.s32 $0x108;
	s8 =	sld [smem:$0x3FB6]  }
0x2e: {  	s3 =	simm.s32 @!p0 $0x1082;
	s9 =	sld [smem:$0x3FB7]  }
0x2f: {  	lr =	sadd.s32 s0, s3;
	s0 =	sld [smem:$0x3FAE]  }
0x30: {  	s3 =	sld [smem:$0x3FB1]  }
0x31: {  	[smem:$0x3FBA] =	sst s10  }
0x32: {  	s10 =	sld [smem:$0x3FB8];
	_ =	sdelay $0x3  }
0x33: {  	p0 =	seq.s32 s10, $0x1;
	s10 =	sld [smem:$0x3FBA];
	_ =	sdelay $0x3  }
0x34: {  	[smem:$0x3FBA] =	sst s10  }
0x35: {  	s10 =	sld [smem:$0x3FB9];
	_ =	sdelay $0x3  }
0x36: {  	p1 =	seq.s32 s10, $0x1;
	s10 =	sld [smem:$0x3FBA];
	_ =	sdelay $0x3  }
0x37: {  	[smem:$0x3FBA] =	sst s10  }
0x38: {  	s10 =	sld [smem:$0x3FBB]  }
0x39: {  	_ = 	snop;
	(pc) =	sbr.ind lr, $3  }
0x3a: {  	_ = 	snop  }
0x3b: {  	_ = 	snop  }
0x3c: {  	p2 =	seq.s32 s10, $0x1;
	s10 =	sld [smem:$0x3FBA]  }
0x3d: {  	_ =	shalt  }
0x3e: {  	_ =	shalt  }
0x3f: {  	_ =	shalt  }
0x40: {  	_ =	shalt  }
0x41: {  	_ =	shalt  }
0x42: {  	_ =	shalt  }
0x43: {  	_ =	shalt  }
0x44: {  	_ =	shalt  }
0x45: {  	_ =	shalt  }
0x46: {  	_ =	shalt  }
0x47: {  	_ =	shalt  }
0x48: {  	_ =	shalt  }
0x49: {  	_ =	shalt  }
0x4a: {  	_ =	shalt  }
0x4b: {  	_ =	shalt  }
0x4c: {  	_ =	shalt  }
0x4d: {  	_ =	shalt  }
0x4e: {  	_ =	shalt  }
0x4f: {  	_ =	shalt  }
0x50: {  	_ =	shalt  }
0x51: {  	_ =	shalt  }
0x52: {  	_ =	shalt  }
0x53: {  	_ =	shalt  }
0x54: {  	_ =	shalt  }
0x55: {  	_ =	shalt  }
0x56: {  	_ =	shalt  }
0x57: {  	_ =	shalt  }
0x58: {  	_ =	shalt  }
0x59: {  	_ =	shalt  }
0x5a: {  	_ =	shalt  }
0x5b: {  	_ =	shalt  }
0x5c: {  	_ =	shalt  }
0x5d: {  	_ =	shalt  }
0x5e: {  	_ =	shalt  }
0x5f: {  	_ =	shalt  }
0x60: {  	_ =	shalt  }
0x61: {  	_ =	shalt  }
0x62: {  	_ =	shalt  }
0x63: {  	_ =	shalt  }
0x64: {  	_ =	shalt  }
0x65: {  	_ =	shalt  }
0x66: {  	_ =	shalt  }
0x67: {  	_ =	shalt  }
0x68: {  	_ =	shalt  }
0x69: {  	_ =	shalt  }
0x6a: {  	_ =	shalt  }
0x6b: {  	_ =	shalt  }
0x6c: {  	_ =	shalt  }
0x6d: {  	_ =	shalt  }
0x6e: {  	_ =	shalt  }
0x6f: {  	_ =	shalt  }
0x70: {  	_ =	shalt  }
0x71: {  	_ =	shalt  }
0x72: {  	_ =	shalt  }
0x73: {  	_ =	shalt  }
0x74: {  	_ =	shalt  }
0x75: {  	_ =	shalt  }
0x76: {  	_ =	shalt  }
0x77: {  	_ =	shalt  }
0x78: {  	_ =	shalt  }
0x79: {  	_ =	shalt  }
0x7a: {  	_ =	shalt  }
0x7b: {  	_ =	shalt  }
0x7c: {  	_ =	shalt  }
0x7d: {  	_ =	shalt  }
0x7e: {  	_ =	shalt  }
0x7f: {  	_ =	shalt  }
0x80: {  	_ =	shalt  }
0x81: {  	_ =	shalt  }
0x82: {  	_ =	shalt  }
0x83: {  	_ =	shalt  }
0x84: {  	_ =	shalt  }
0x85: {  	_ =	shalt  }
0x86: {  	_ =	shalt  }
0x87: {  	_ =	shalt  }
.Lfunc_end0:
.L_simem_size_0:
called_computation_lowered:
.L_overlay_start_0:
0x88: {  	s2 =	sld [smem:$0x3FD9]  }
0x89: {  	s3 =	sld [smem:$0x3FFE];
	_ =	sdelay $0x1  }
0x8a: {  	s1 =	srdreg.scid  }
0x8b: {  	s0 =	sand.u32 $0x1, s1  }
0x8c: {  	s18 =	sshll.u32 s0, $0xA;
	s2 =	sadd.s32 s3, s2  }
0x8d: {  	s2 =	sadd.s32 s2, s18  }
0x8e: {  	[smem:$0x3FC6] =	sst s2  }
0x8f: {  	_ = 	snop  }
0x90: {  	s2 =	sld [smem:$0x3FC9]  }
0x91: {  	s19 =	sld [smem:$0x3FC8]  }
0x92: {  	s4 =	sld [smem:$0x3FD0];
	(tm) =	ssettm $0x1  }
0x93: {  	s5 =	sld [smem:$0x3FFB];
	_ =	sdelay $0x3  }
0x94: {  	_ =	strace s5  }
0x95: {  	s5 =	sld [smem:$0x3FFC];
	_ =	sdelay $0x3  }
0x96: {  	_ =	strace s5  }
0x97: {  	s5 =	sld [smem:$0x3FFD];
	_ =	sdelay $0x3  }
0x98: {  	_ =	strace s5  }
0x99: {  	_ =	strace $0x8FFFFFFF  }
0x9a: {  	s20 =	sld [smem:$0x3FDB];
	_ =	sdelay $0x1  }
0x9b: {  	s6 =	simm.s32 $_scs_section_size  }
0x9c: {  	s7 =	simm.s32 $_size__tile_overlayer_lowered;
	s8 =	simm.s32 $_tile_overlayer_lowered  }
0x9d: {  	s23 =	simm.s32 $0x1BFF;
	s22 =	sshll.u32 s8, $0x1;
	s5 =	sadd.s32 s6, s20  }
0x9e: {  	s9 =	simm.s32 $0x0;
	s21 =	sshll.u32 s7, $0x1;
	s7 =	sadd.s32 s22, s5  }
0x9f: {  	[timem:s9], [sflag:s23] =	dma.local [hbm:s7], s21  }
0xa0: {  	_ =	swait.ge [sflag:s23], s21  }
0xa1: {  	s6 =	ssub.s32 $0x0, s21;
	[sflag:s23] =	ssyncset.done $0x0  }
0xa2: {  	[sflag:s23] =	ssyncadd.s32 s6;
	_ =	sdelay $0x1  }
0xa3: {  	s24 =	simm.s32 $0x1B8B  }
0xa4: {  	_ =	swait.ge [sflag:s24], $0x1  }
0xa5: {  	[sflag:s24] =	ssyncset.done $0x0  }
0xa6: {  	s25 =	simm.s32 $0x1B8E;
	[sflag:s24] =	ssyncadd.s32 $0xFFFFFFFF  }
0xa7: {  	s26 =	simm.s32 $execute0_lowered;
	[smem:$0x3FD2] =	sst s25  }
0xa8: {  	s6 =	sshll.u32 s26, $0x1;
	_ =	strace $0x80000046;
	[dreg:$0x1] =	wrdreg $0xFFFFFFFF  }
0xa9: {  	s28 =	simm.s32 $_size_execute0_lowered;
	s5 =	sadd.s32 s5, s6;
	[dreg:$0x0] =	wrdreg $0x0  }
0xaa: {  	s6 =	sshll.u32 s28, $0x1;
	[dreg:$0x2] =	wrdreg s5  }
0xab: {  	[dreg:$0x3] =	wrdreg s6  }
0xac: {  	[dreg:$0x4] =	wrdreg $0xC0  }
0xad: {  	_ =	task [dreg:s9], $0x5FFFF  }
0xae: {  	[dreg:$0x1] =	wrdreg $0xFFFFFFFF  }
0xaf: {  	[dreg:$0x0] =	wrdreg $0x60  }
0xb0: {  	[dreg:$0x2] =	wrdreg s2  }
0xb1: {  	[dreg:$0x3] =	wrdreg s19  }
0xb2: {  	[dreg:$0x4] =	wrdreg s4  }
0xb3: {  	[dreg:$0x5] =	wrdreg $0x9  }
0xb4: {  	_ =	task.clear_ibuf [dreg:s9], $0x6FFFF;
	_ =	strace $0x90000046  }
0xb5: {  	s29 =	simm.s32 $0x9;
	_ =	strace $0x80000048  }
0xb6: {  	_ =	swait.ge [sflag:s29], $0x1  }
0xb7: {  	[sflag:s29] =	ssyncadd.s32 $0xFFFFFFFF  }
0xb8: {  	_ =	strace $0x90000048  }
0xb9: {  	_ =	sfence  }
0xba: {  	s30 =	sld [smem:$0x0];
	_ =	sdelay $0x2  }
0xbb: {  	s31 =	sshll.u32 s1, $0xD;
	s1 =	sshrl.u32 s1, $0x2  }
0xbc: {  	s3 =	sand.u32 $0x4000, s31;
	s1 =	sadd.s32 s1, s30  }
0xbd: {  	s0 =	sor.u32 s3, s0;
	s1 =	sshll.u32 s1, $0x11  }
0xbe: {  	s0 =	sor.u32 s1, s0  }
0xbf: {  	s0 =	sadd.s32 $0x8F2B, s0  }
0xc0: {  	[sflag:s0] =	ssyncadd.remote.s32 $0x1  }
0xc1: {  	_ =	sfence.sel $0xFFFF  }
0xc2: {  	[dreg:$0x0] =	wrdreg $0xFFFFFFFF;
	(pc) =	sbr.abs _section_cstart, $3  }
0xc3: {  	[dreg:$0x1] =	wrdreg $0xFFFFFFFF  }
0xc4: {  	_ =	task.clear_ibuf [dreg:s9], $0x2FFFF;
	_ =	strace $0x9FFFFFFF  }
0xc5: {  	(tm) =	ssettm $0x7FFFFFFF  }
tec
execute0_lowered:
.L_overlay_start_1:
0x0: {  	(tag) =	ssettag $0x1  }
0x1: {  	s0 =	rddreg [dreg:$0x0]  }
0x2: {  	s1 =	rddreg [dreg:$0x2];
	s3 =	simm.s32 $0x0;
	s2 =	srdreg.scid  }
0x3: {  	s29 =	stileid.u32;
	[smem:$0x7FF] =	sst s3;
	s2 =	sand.u32 $0x1, s2  }
0x4: {  	s5 =	sshll.u32 s29, $0xA;
	s4 =	ssub.s32 $0x2, s2;
	s2 =	sshll.u32 s2, $0x9  }
0x5: {  	s10 =	simm.s32 $0x2;
	_ =	strace $0x80000047;
	s2 =	sor.u32 s2, s5  }
0x6: {  	s6 =	sshrl.u32 s4, $0x1;
	s0 =	sadd.s32 s0, s2;
	s30 =	sshrl.u32 s2, $0x3  }
0x7: {  	s4 =	ssub.s32 s4, s6;
	[dreg:$0x4] =	wrdreg s0;
	s0 =	sadd.s32 s1, s30  }
0x8: {  	s11 =	simm.s32 $0x1;
	s31 =	smax.u32 s4, $0x1;
	[dreg:$0x5] =	wrdreg s0  }
0x9: {  	v0 =	vimm.f32 $2.560000000e+02;
	v1 =	vimm.s32 $0x1;
	v2 =	vimm.s32 $0x0;
	s13 =	simm.s32 $0x0;
	s3 =	simm.s32 $0x0;
	[dreg:$0x6] =	wrdreg s31  }
.LBB2_1:
0xa: {  	s0 =	rddreg [dreg:$0x4]  }
0xb: {  	s1 =	simm.s32 $0x1000;
	s2 =	simm.s32 $0x20000;
	s4 =	simm.s32 $0x80  }
0xc: {  	[tilespmem:s4], [sflag:$0x1] =	stream.strided.gather [hbm4b:s0+s1], $0x4000, s2, s1, $0x38;
	[tilespmem:$0x4280] =	vst v63  }
0xd: {  	s4 =	rddreg [dreg:$0x1]  }
0xe: {  	[tilespmem:s3], [sflag:$0x2] =	stream.linear.gather [hbm4b:s4+s3], $0x1A, $0x38;
	[tilespmem:$0x4280] =	vst v63  }
0xf: {  	_ =	swait.ge [sflag:s10], $0x1A  }
0x10: {  	[sflag:s10] =	ssyncset.done $0x0  }
0x11: {  	[sflag:s10] =	ssyncadd.s32 $0xFFFFFFE6  }
0x12: {  	v3 =	vld [tilespmem:$0x0];
	_ =	sdelay $0x4  }
0x13: {  	vm0 =	vge.f32 v3, $1.000000000e+00  }
0x14: {  	v4 =	vsel vm0, $0x43000000, v0  }
0x15: {  	v3 =	vmul.f32 v4, v3;
	_ =	sdelay $0x1  }
0x16: {  	v3 =	vadd.f32 $5.000000000e-01, v3;
	_ =	sdelay $0x1  }
0x17: {  	v3 =	vtrunc.f32 v3  }
0x18: {  	v3 =	vcvt.f32.s32 v3  }
0x19: {  	v4 =	vsel vm0, $0x2, v1  }
0x1a: {  	v18 =	vshll.u32 v3, v4  }
0x1b: {  	(v2sf) =	vpush v18, $0x0  }
0x1c: {  	v3 =	vld [tilespmem:$0x10];
	(v2sf) =	vpush v18, $0x1  }
0x1d: {  	(v2sf) =	vpush v18, $0x2  }
0x1e: {  	(v2sf) =	vpush v18, $0x3  }
0x1f: {  	(v2sf) =	vpush v18, $0x4  }
0x20: {  	(v2sf) =	vpush v18, $0x5  }
0x21: {  	vm14 =	vge.f32 v3, $1.000000000e+00;
	(v2sf) =	vpush v18, $0x6  }
0x22: {  	v4 =	vsel vm14, $0x43000000, v0;
	(v2sf) =	vpush v18, $0x7  }
0x23: {  	v3 =	vmul.f32 v4, v3;
	(v2sf) =	vpush v18, $0x8  }
0x24: {  	(v2sf) =	vpush v18, $0x9  }
0x25: {  	v3 =	vadd.f32 $5.000000000e-01, v3;
	(v2sf) =	vpush v18, $0xA  }
0x26: {  	(v2sf) =	vpush v18, $0xB  }
0x27: {  	v3 =	vtrunc.f32 v3;
	(v2sf) =	vpush v18, $0xC  }
0x28: {  	v3 =	vcvt.f32.s32 v3;
	(v2sf) =	vpush v18, $0xD  }
0x29: {  	v4 =	vsel vm14, $0x2, v1;
	(v2sf) =	vpush v18, $0xE  }
0x2a: {  	v27 =	vshll.u32 v3, v4;
	s5 =	spop (v2sf);
	(v2sf) =	vpush v18, $0xF  }
0x2b: {  	s12 =	spop (v2sf);
	(v2sf) =	vpush v27, $0x0  }
0x2c: {  	s4 =	spop (v2sf);
	(v2sf) =	vpush v27, $0x1  }
0x2d: {  	s9 =	spop (v2sf);
	(v2sf) =	vpush v27, $0x2  }
0x2e: {  	s8 =	spop (v2sf);
	(v2sf) =	vpush v27, $0x3  }
0x2f: {  	s15 =	spop (v2sf);
	(v2sf) =	vpush v27, $0x4  }
0x30: {  	s14 =	spop (v2sf);
	(v2sf) =	vpush v27, $0x5  }
0x31: {  	s7 =	spop (v2sf);
	(v2sf) =	vpush v27, $0x6  }
0x32: {  	s16 =	spop (v2sf);
	(v2sf) =	vpush v27, $0x7  }
0x33: {  	s1 =	spop (v2sf);
	(v2sf) =	vpush v27, $0x8  }
0x34: {  	s2 =	spop (v2sf);
	(v2sf) =	vpush v27, $0x9  }
0x35: {  	s0 =	spop (v2sf)  }
0x36: {  	s31 =	spop (v2sf)  }
0x37: {  	s30 =	spop (v2sf)  }
0x38: {  	s29 =	spop (v2sf)  }
0x39: {  	s28 =	spop (v2sf)  }
0x3a: {  	s26 =	spop (v2sf)  }
0x3b: {  	s25 =	spop (v2sf)  }
0x3c: {  	s24 =	spop (v2sf)  }
0x3d: {  	s23 =	spop (v2sf)  }
0x3e: {  	s22 =	spop (v2sf)  }
0x3f: {  	s21 =	spop (v2sf)  }
0x40: {  	s20 =	spop (v2sf)  }
0x41: {  	s19 =	spop (v2sf)  }
0x42: {  	s18 =	spop (v2sf)  }
0x43: {  	s17 =	spop (v2sf)  }
0x44: {  	s6 =	simm.s32 $0x0;
	s3 =	simm.s32 $0x0;
	_ =	swait.ge [sflag:s11], $0x4000  }
0x45: {  	s6 =	sand.u32 $0x70, s6;
	s3 =	sand.u32 $0xC00, s3;
	[sflag:s11] =	ssyncset.done $0x0  }
0x46: {  	s6 =	sor.u32 s6, s3;
	[sflag:s11] =	ssyncadd.s32 $0xFFFFC000  }
0x47: {  	v7 =	vld [tilespmem:s6+$0x80]  }
0x48: {  	v8 =	vld [tilespmem:s6+$0x100]  }
0x49: {  	v9 =	vld [tilespmem:s6+$0x180]  }
0x4a: {  	v10 =	vld [tilespmem:s6+$0x200]  }
0x4b: {  	v11 =	vld [tilespmem:s6+$0x280]  }
0x4c: {  	v12 =	vld [tilespmem:s6+$0x300]  }
0x4d: {  	v13 =	vld [tilespmem:s6+$0x380]  }
0x4e: {  	v14 =	vld [tilespmem:s6+$0x400]  }
0x4f: {  	v15 =	vld [tilespmem:s6+$0x1080]  }
0x50: {  	s5 =	sadd.s32 s12, s5;
	v16 =	vld [tilespmem:s6+$0x1100]  }
0x51: {  	v3 =	vbroadcast v18, $0x0;
	v4 =	vbroadcast v18, $0x1;
	s3 =	sadd.s32 s4, s5;
	v17 =	vld [tilespmem:s6+$0x1180]  }
0x52: {  	v5 =	vbroadcast v18, $0x2;
	s3 =	sadd.s32 s9, s3;
	v21 =	vld [tilespmem:s6+$0x1200]  }
0x53: {  	v6 =	vbroadcast v18, $0x3;
	s3 =	sadd.s32 s8, s3;
	v23 =	vld [tilespmem:s6+$0x1280];
	v19 =	vmul.u32 v3, v7;
	v20 =	vmul.u32 v4, v8  }
0x54: {  	s3 =	sadd.s32 s15, s3;
	v28 =	vld [tilespmem:s6+$0x2080];
	v7 =	vbroadcast v18, $0x4;
	v22 =	vmul.u32 v5, v9  }
0x55: {  	s15 =	simm.s32 $0x80;
	s3 =	sadd.s32 s14, s3;
	s14 =	simm.s32 $0x10;
	v31 =	vld [tilespmem:s6+$0x2200];
	v8 =	vbroadcast v18, $0x5;
	v24 =	vmul.u32 v6, v10;
	v10 =	vadd.s32 v19, v20  }
0x56: {  	s12 =	sand.u32 $0xC00, s15;
	s3 =	sadd.s32 s7, s3;
	s9 =	sand.u32 $0x70, s14;
	v32 =	vld [tilespmem:s6+$0x2300];
	v9 =	vbroadcast v18, $0x6;
	v20 =	vmul.u32 v7, v11;
	v11 =	vadd.s32 v22, v10  }
0x57: {  	s3 =	sadd.s32 s16, s3;
	s16 =	sor.u32 s9, s12;
	v34 =	vld [tilespmem:s6+$0x2400];
	v25 =	vmul.u32 v8, v12;
	v10 =	vbroadcast v18, $0x7;
	v12 =	vadd.s32 v24, v11  }
0x58: {  	v46 =	vld [tilespmem:s16+$0x80];
	v26 =	vmul.u32 v9, v13;
	v11 =	vbroadcast v18, $0x8;
	v13 =	vadd.s32 v20, v12  }
0x59: {  	v37 =	vld [tilespmem:s16+$0x100];
	v12 =	vbroadcast v18, $0x9;
	v20 =	vmul.u32 v10, v14;
	v14 =	vadd.s32 v25, v13  }
0x5a: {  	v19 =	vld [tilespmem:s6+$0x1300];
	v13 =	vbroadcast v18, $0xA;
	v29 =	vmul.u32 v11, v15;
	v15 =	vadd.s32 v26, v14  }
0x5b: {  	v22 =	vld [tilespmem:s6+$0x1380];
	v14 =	vbroadcast v18, $0xB;
	v30 =	vmul.u32 v12, v16;
	v16 =	vadd.s32 v20, v15  }
0x5c: {  	v24 =	vld [tilespmem:s6+$0x1400];
	v15 =	vbroadcast v18, $0xC;
	v20 =	vmul.u32 v13, v17;
	v17 =	vadd.s32 v29, v16  }
0x5d: {  	v38 =	vld [tilespmem:s16+$0x180];
	v16 =	vbroadcast v18, $0xD;
	v21 =	vmul.u32 v14, v21;
	v30 =	vadd.s32 v30, v17  }
0x5e: {  	v25 =	vld [tilespmem:s6+$0x2100];
	v17 =	vbroadcast v18, $0xE;
	v23 =	vmul.u32 v15, v23;
	v20 =	vadd.s32 v20, v30  }
0x5f: {  	v26 =	vld [tilespmem:s6+$0x2180];
	v18 =	vbroadcast v18, $0xF;
	v33 =	vmul.u32 v16, v19;
	v20 =	vadd.s32 v21, v20  }
0x60: {  	v39 =	vld [tilespmem:s16+$0x280];
	v19 =	vbroadcast v27, $0x0;
	v22 =	vmul.u32 v17, v22;
	v21 =	vadd.s32 v23, v20  }
0x61: {  	v40 =	vld [tilespmem:s16+$0x380];
	v20 =	vbroadcast v27, $0x1;
	v23 =	vmul.u32 v18, v24;
	v24 =	vadd.s32 v33, v21  }
0x62: {  	v48 =	vld [tilespmem:s16+$0x400];
	v28 =	vmul.u32 v19, v28;
	v21 =	vbroadcast v27, $0x2;
	v24 =	vadd.s32 v22, v24  }
0x63: {  	v29 =	vld [tilespmem:s6+$0x2280];
	v22 =	vbroadcast v27, $0x3;
	v25 =	vmul.u32 v20, v25;
	v24 =	vadd.s32 v23, v24  }
0x64: {  	s1 =	sadd.s32 s1, s3;
	v30 =	vld [tilespmem:s6+$0x2380];
	v26 =	vmul.u32 v21, v26;
	v28 =	vadd.s32 v28, v24  }
0x65: {  	s1 =	sadd.s32 s2, s1;
	v37 =	vmul.u32 v4, v37;
	v31 =	vmul.u32 v22, v31;
	v25 =	vadd.s32 v25, v28;
	v28 =	vld [tilespmem:s16+$0x200]  }
0x66: {  	s0 =	sadd.s32 s0, s1;
	v52 =	vld [tilespmem:s16+$0x1200];
	v47 =	vmul.u32 v5, v38;
	v23 =	vbroadcast v27, $0x4;
	v26 =	vadd.s32 v26, v25  }
0x67: {  	s0 =	sadd.s32 s31, s0;
	v33 =	vmul.u32 v3, v46;
	v24 =	vbroadcast v27, $0x5;
	v26 =	vadd.s32 v31, v26;
	v31 =	vld [tilespmem:s16+$0x300]  }
0x68: {  	s0 =	sadd.s32 s30, s0;
	v53 =	vld [tilespmem:s16+$0x1280];
	v39 =	vmul.u32 v7, v39;
	v29 =	vmul.u32 v23, v29;
	v25 =	vbroadcast v27, $0x6  }
0x69: {  	s0 =	sadd.s32 s29, s0;
	v49 =	vld [tilespmem:s16+$0x1080];
	v51 =	vmul.u32 v9, v40;
	v33 =	vadd.s32 v33, v37;
	v32 =	vmul.u32 v24, v32  }
0x6a: {  	s0 =	sadd.s32 s28, s0;
	v50 =	vld [tilespmem:s16+$0x1100];
	v29 =	vadd.s32 v29, v26;
	v30 =	vmul.u32 v25, v30;
	v28 =	vmul.u32 v6, v28  }
0x6b: {  	s0 =	sadd.s32 s26, s0;
	v35 =	vld [tilespmem:s6+$0x3080];
	v38 =	vmul.u32 v10, v48;
	v29 =	vadd.s32 v32, v29;
	v32 =	vadd.s32 v47, v33  }
0x6c: {  	s0 =	sadd.s32 s25, s0;
	v29 =	vadd.s32 v30, v29;
	v30 =	vmul.u32 v8, v31;
	v28 =	vadd.s32 v28, v32;
	v31 =	vld [tilespmem:s16+$0x1180]  }
0x6d: {  	s0 =	sadd.s32 s24, s0;
	v36 =	vld [tilespmem:s6+$0x3100];
	v57 =	vmul.u32 v14, v52;
	v58 =	vmul.u32 v15, v53;
	v39 =	vadd.s32 v39, v28  }
0x6e: {  	s0 =	sadd.s32 s23, s0;
	v54 =	vld [tilespmem:s16+$0x1300];
	v37 =	vmul.u32 v11, v49;
	v26 =	vbroadcast v27, $0x7;
	v30 =	vadd.s32 v30, v39  }
0x6f: {  	s0 =	sadd.s32 s22, s0;
	v55 =	vld [tilespmem:s16+$0x1380];
	v33 =	vmul.u32 v12, v50;
	v28 =	vbroadcast v27, $0x8;
	v30 =	vadd.s32 v51, v30  }
0x70: {  	s0 =	sadd.s32 s21, s0;
	v34 =	vmul.u32 v26, v34;
	v27 =	vbroadcast v27, $0x9;
	v30 =	vadd.s32 v38, v30  }
0x71: {  	s0 =	sadd.s32 s20, s0;
	v56 =	vld [tilespmem:s16+$0x1400];
	v35 =	vmul.u32 v28, v35;
	v31 =	vmul.u32 v13, v31;
	v30 =	vadd.s32 v37, v30  }
0x72: {  	s0 =	sadd.s32 s19, s0;
	v41 =	vld [tilespmem:s16+$0x2080];
	v29 =	vadd.s32 v34, v29;
	v36 =	vmul.u32 v27, v36;
	v30 =	vadd.s32 v33, v30  }
0x73: {  	s0 =	sadd.s32 s18, s0;
	v59 =	vld [tilespmem:s16+$0x2100];
	v60 =	vmul.u32 v16, v54;
	v35 =	vadd.s32 v35, v29;
	v30 =	vadd.s32 v31, v30  }
0x74: {  	s0 =	sadd.s32 s17, s0;
	v62 =	vmul.u32 v17, v55;
	v34 =	vld [tilespmem:s16+$0x2180];
	v31 =	vadd.s32 v36, v35;
	v30 =	vadd.s32 v57, v30  }
0x75: {  	v29 =	vmov s0;
	v61 =	vshll.u32 v31, $0x1;
	v31 =	vld [tilespmem:s16+$0x2200];
	v30 =	vadd.s32 v58, v30  }
0x76: {  	v32 =	vld [tilespmem:s16+$0x2280];
	v37 =	vmul.u32 v18, v56;
	vm15 =	vgt.s32 v61, v29;
	v33 =	vadd.s32 v60, v30  }
0x77: {  	s2 =	simm.s32 $0x4080;
	v36 =	vmul.u32 v19, v41;
	v63 =	vsel vm15, $0x1, v2;
	v30 =	vld [tilespmem:s16+$0x2300];
	v38 =	vadd.s32 v62, v33  }
0x78: {  	s17 =	simm.s32 $0x4080;
	v35 =	vmul.u32 v20, v59;
	[tilespmem:s2+$0x0] =	vst v63;
	v33 =	vld [tilespmem:s16+$0x2380];
	v37 =	vadd.s32 v37, v38  }
.LBB2_2:
0x79: {  	s14 =	sadd.s32 $0x10, s14;
	v34 =	vmul.u32 v21, v34;
	v38 =	vld [tilespmem:s16+$0x2400];
	v36 =	vadd.s32 v36, v37;
	s15 =	sadd.s32 $0x80, s15  }
0x7a: {  	s0 =	sand.u32 $0x70, s14;
	s1 =	sand.u32 $0xC00, s15;
	p0 =	slt.u32 s14, $0x1F0;
	v31 =	vmul.u32 v22, v31;
	v37 =	vld [tilespmem:s16+$0x3080];
	v35 =	vadd.s32 v35, v36  }
0x7b: {  	v32 =	vmul.u32 v23, v32;
	v36 =	vld [tilespmem:s16+$0x3100];
	s16 =	sor.u32 s0, s1;
	v34 =	vadd.s32 v34, v35  }
0x7c: {  	v35 =	vld [tilespmem:s16+$0x80];
	v30 =	vmul.u32 v24, v30;
	v31 =	vadd.s32 v31, v34  }
0x7d: {  	v34 =	vld [tilespmem:s16+$0x100];
	v33 =	vmul.u32 v25, v33;
	v31 =	vadd.s32 v32, v31  }
0x7e: {  	v32 =	vld [tilespmem:s16+$0x180];
	v38 =	vmul.u32 v26, v38;
	v30 =	vadd.s32 v30, v31  }
0x7f: {  	v31 =	vld [tilespmem:s16+$0x200];
	v37 =	vmul.u32 v28, v37;
	v30 =	vadd.s32 v33, v30  }
0x80: {  	v33 =	vld [tilespmem:s16+$0x280];
	v36 =	vmul.u32 v27, v36;
	v30 =	vadd.s32 v38, v30  }
0x81: {  	v38 =	vld [tilespmem:s16+$0x300];
	v30 =	vadd.s32 v37, v30  }
0x82: {  	v35 =	vmul.u32 v3, v35;
	v34 =	vmul.u32 v4, v34;
	v37 =	vld [tilespmem:s16+$0x380];
	v30 =	vadd.s32 v36, v30  }
0x83: {  	v32 =	vmul.u32 v5, v32;
	v36 =	vld [tilespmem:s16+$0x400];
	v30 =	vshll.u32 v30, $0x1  }
0x84: {  	v31 =	vmul.u32 v6, v31;
	v39 =	vld [tilespmem:s16+$0x1080];
	v34 =	vadd.s32 v35, v34;
	vm0 =	vgt.s32 v30, v29  }
0x85: {  	s17 =	sadd.s32 $0x10, s17;
	v30 =	vmul.u32 v7, v33;
	v33 =	vld [tilespmem:s16+$0x1100];
	v32 =	vadd.s32 v32, v34;
	v34 =	vsel vm0, $0x1, v2  }
0x86: {  	v35 =	vmul.u32 v8, v38;
	v38 =	vld [tilespmem:s16+$0x1180];
	v31 =	vadd.s32 v31, v32;
	[tilespmem:s17+$0x0] =	vst v34  }
0x87: {  	v32 =	vmul.u32 v9, v37;
	v34 =	vld [tilespmem:s16+$0x1200];
	v30 =	vadd.s32 v30, v31  }
0x88: {  	v31 =	vmul.u32 v10, v36;
	v36 =	vld [tilespmem:s16+$0x1280];
	v30 =	vadd.s32 v35, v30  }
0x89: {  	v35 =	vmul.u32 v11, v39;
	v37 =	vld [tilespmem:s16+$0x1300];
	v30 =	vadd.s32 v32, v30  }
0x8a: {  	v32 =	vmul.u32 v12, v33;
	v33 =	vld [tilespmem:s16+$0x1380];
	v30 =	vadd.s32 v31, v30  }
0x8b: {  	v31 =	vmul.u32 v13, v38;
	v38 =	vld [tilespmem:s16+$0x1400];
	v30 =	vadd.s32 v35, v30  }
0x8c: {  	v35 =	vmul.u32 v14, v34;
	v39 =	vld [tilespmem:s16+$0x2080];
	v30 =	vadd.s32 v32, v30  }
0x8d: {  	v32 =	vmul.u32 v15, v36;
	v40 =	vld [tilespmem:s16+$0x2100];
	v30 =	vadd.s32 v31, v30  }
.Ltmp0:
0x8e: {  	v36 =	vmul.u32 v16, v37;
	v34 =	vld [tilespmem:s16+$0x2180];
	v30 =	vadd.s32 v35, v30;
	(pc) =	sbr.rel @p0 .LBB2_2-.Ltmp0, $4  }
0x8f: {  	v33 =	vmul.u32 v17, v33;
	v31 =	vld [tilespmem:s16+$0x2200];
	v30 =	vadd.s32 v32, v30  }
0x90: {  	v37 =	vmul.u32 v18, v38;
	v32 =	vld [tilespmem:s16+$0x2280];
	v35 =	vadd.s32 v36, v30  }
0x91: {  	v36 =	vmul.u32 v19, v39;
	v30 =	vld [tilespmem:s16+$0x2300];
	v38 =	vadd.s32 v33, v35  }
0x92: {  	v35 =	vmul.u32 v20, v40;
	v33 =	vld [tilespmem:s16+$0x2380];
	v37 =	vadd.s32 v37, v38  }
0x93: {  	v3 =	vmul.u32 v21, v34;
	v4 =	vld [tilespmem:s16+$0x2400];
	v5 =	vadd.s32 v36, v37  }
0x94: {  	v7 =	vld [tilespmem:s16+$0x3080];
	v6 =	vmul.u32 v22, v31;
	v5 =	vadd.s32 v35, v5  }
0x95: {  	v9 =	vld [tilespmem:s16+$0x3100];
	v8 =	vmul.u32 v23, v32;
	v3 =	vadd.s32 v3, v5  }
0x96: {  	v60 =	vmul.u32 v24, v30;
	v3 =	vadd.s32 v6, v3  }
0x97: {  	v61 =	vmul.u32 v25, v33;
	v3 =	vadd.s32 v8, v3  }
0x98: {  	v4 =	vmul.u32 v26, v4;
	v3 =	vadd.s32 v60, v3  }
0x99: {  	v62 =	vmul.u32 v28, v7;
	v3 =	vadd.s32 v61, v3  }
0x9a: {  	v63 =	vmul.u32 v27, v9;
	v3 =	vadd.s32 v4, v3  }
0x9b: {  	v3 =	vadd.s32 v62, v3  }
0x9c: {  	v3 =	vadd.s32 v63, v3  }
0x9d: {  	v3 =	vshll.u32 v3, $0x1  }
0x9e: {  	vm0 =	vgt.s32 v3, v29  }
0x9f: {  	s0 =	sadd.s32 $0x10, s17;
	v3 =	vsel vm0, $0x1, v2  }
0xa0: {  	[tilespmem:s0+$0x0] =	vst v3  }
0xa1: {  	s3 =	simm.s32 $0x0;
	s0 =	rddreg [dreg:$0x5]  }
0xa2: {  	[hbm4b:s0+s3] =	stream.linear.scatter [tilespmem:s2], [sflag:$0x2], $0x200, $0x38;
	[tilespmem:$0x4280] =	vst v63  }
0xa3: {  	_ =	swait.ge [sflag:s10], $0x200  }
0xa4: {  	s13 =	sadd.s32 $0x1, s13;
	s31 =	rddreg [dreg:$0x6]  }
0xa5: {  	p0 =	sne.s32 s13, s31  }
.Ltmp1:
0xa6: {  	_ = 	snop;
	(pc) =	sbr.rel @p0 .LBB2_1-.Ltmp1, $3  }
0xa7: {  	_ =	sdelay $0x1  }
0xa8: {  	[sflag:s10] =	ssyncset.done $0x0  }
0xa9: {  	[sflag:s10] =	ssyncadd.s32 $0xFFFFFE00  }
0xaa: {  	_ =	sfence.sel $0x180000  }
0xab: {  	[bflag:$0x0] =	sbarrier.arrive $0xFFFF  }
0xac: {  	_ =	strace $0x90000047  }
0xad: {  	s0 =	stileid.u32;
	[bflag:$0x2] =	sbarrier.arrive $0xFFFF  }
0xae: {  	p0 =	sne.s32 s0, $0x0;
	s0 =	rddreg [dreg:$0x3]  }
0xaf: {  	s0 =	sadd.s32 @!p0 $0x100000, s0  }
0xb0: {  	[sflag:s0] =	ssyncadd.tile.s32 @!p0 $0x1;
	_ =	shalt  }
.Lfunc_end2:
_tile_overlayer_lowered:
.L_overlay_start_2:
0xb1: {  	(tag) =	ssettag $0x2  }
0xb2: {  	s0 =	rddreg [dreg:$0x0];
	s2 =	stileid.u32  }
0xb3: {  	s1 =	rddreg [dreg:$0x1];
	p0 =	sne.s32 s2, $0x0  }
0xb4: {  	s3 =	rddreg [dreg:$0x2];
	[bflag:$0x3] =	sbarrier.arrive $0xFFFF;
	s2 =	simm.s32 @!p0 $0x1C02  }
0xb5: {  	[timem:s3], [sflag:s2] =	dma.local @!p0 [hbm:s0], s1  }
0xb6: {  	s0 =	simm.s32 @!p0 $0x2  }
0xb7: {  	_ =	swait.ge @!p0 [sflag:s0], s1  }
0xb8: {  	s1 =	ssub.s32 @!p0 $0x0, s1;
	[sflag:s0] =	ssyncset.done @!p0 $0x0  }
0xb9: {  	[sflag:s0] =	ssyncadd.s32 @!p0 s1  }
0xba: {  	[bflag:$0x3] =	sbarrier.arrive $0xFFFF  }
0xbb: {  	_ =	shalt  }

</sc_bundles>
